<compile_context>
chip_gen: v7x
topology: tpu7x:2x2x1
jax: 0.10.2.dev20260603
libtpu: 0.0.44.dev20260713+nightly
codegen_flags: <defaults>
</compile_context>

<pallas_src>
import functools

import jax
import jax.numpy as jnp
from jax import lax
from jax.experimental import pallas as pl
from jax.experimental.pallas import tpu as pltpu
from jax.experimental.pallas import tpu_sc as plsc

SEQ_LEN = 200
NUM_HID = 128
BATCH = 4096
TOTAL = BATCH * SEQ_LEN
NUM_WORKERS = 32
PER_WORKER = TOTAL // NUM_WORKERS
CHUNK = SEQ_LEN
N_CHUNKS = PER_WORKER // CHUNK
LANES = 16
SLICES = NUM_HID // LANES


def _pos_encode(seq_len, dim):
    range_even = jnp.arange(dim, dtype=jnp.float32)
    range_even = (range_even / 2.0).astype(jnp.int32).astype(jnp.float32)
    power = range_even / float(dim)
    denom = jnp.power(10000.0, power).reshape(1, dim)
    pos = jnp.arange(seq_len, dtype=jnp.float32).reshape(seq_len, 1)
    arg = pos / denom
    cos_mask = (jnp.arange(seq_len) % 2).astype(bool).reshape(seq_len, 1)
    sin = jnp.where(jnp.logical_not(cos_mask), jnp.sin(arg), 0.0)
    cos = jnp.where(cos_mask, jnp.cos(arg), 0.0)
    return sin + cos


@functools.partial(
    pl.kernel,
    out_type=jax.ShapeDtypeStruct((TOTAL, NUM_HID), jnp.float32),
    mesh=plsc.VectorSubcoreMesh(core_axis_name="c", subcore_axis_name="s"),
    scratch_types=[
        pltpu.VMEM((CHUNK,), jnp.int32),
        pltpu.VMEM((CHUNK, NUM_HID), jnp.float32),
        pltpu.VMEM((SEQ_LEN, NUM_HID), jnp.float32),
        pltpu.SemaphoreType.DMA,
    ],
)
def _embed_sc(idx_hbm, table_hbm, pe_hbm, out_hbm, idx_v, rows_v, pe_v, sem):
    wid = lax.axis_index("s") * 2 + lax.axis_index("c")
    base = wid * PER_WORKER
    pltpu.sync_copy(pe_hbm, pe_v)

    def chunk_body(c, carry):
        off = base + c * CHUNK
        pltpu.sync_copy(idx_hbm.at[pl.ds(off, CHUNK)], idx_v)
        pltpu.async_copy(table_hbm.at[idx_v], rows_v, sem).wait()

        def row_body(r, rcarry):
            for k in range(SLICES):
                sl = pl.ds(k * LANES, LANES)
                rows_v[r, sl] = rows_v[r, sl] + pe_v[r, sl]
            return rcarry

        lax.fori_loop(0, CHUNK, row_body, 0, unroll=2)
        pltpu.sync_copy(rows_v, out_hbm.at[pl.ds(off, CHUNK)])
        return carry

    lax.fori_loop(0, N_CHUNKS, chunk_body, 0)


def kernel(input, table):
    idx = input.reshape(TOTAL).astype(jnp.int32)
    pe = _pos_encode(SEQ_LEN, NUM_HID)
    out = _embed_sc(idx, table, pe)
    return out.reshape(BATCH, SEQ_LEN, NUM_HID)

# --- scband reference (transcript-rebuilt; emitter-appended) ---
"""Pipeline reference for scband-embedding1-d-32289564131502 (READ-ONLY COPY).

The authoritative reference and input builder live on the scoring server;
editing this copy changes nothing except your own understanding.
"""

import jax, jax.numpy as jnp
import numpy as np

SEQ_LEN = 200
NUM_CLASS = 100000
NUM_HID = 128
BATCH = 4096


def pos_encode(seq_len, dim):
    # Faithful translation of the TF pos_encode, including its quirks:
    # the sin/cos mask depends on the POSITION index parity (not dim parity).
    range_even = jnp.arange(dim, dtype=jnp.float32)
    range_even = range_even / 2.0
    range_even = range_even.astype(jnp.int32).astype(jnp.float32)
    power = range_even / float(dim)
    denom = jnp.power(10000.0, power)
    denom = jnp.reshape(denom, (1, dim))
    pos = jnp.arange(seq_len, dtype=jnp.float32)
    pos = jnp.reshape(pos, (seq_len, 1))
    arg = pos / denom
    cos_mask = (jnp.arange(seq_len) % 2).astype(bool)
    cos_mask = jnp.reshape(cos_mask, (seq_len, 1))
    sin_mask = jnp.logical_not(cos_mask)
    sin = jnp.where(sin_mask, jnp.sin(arg), 0.0)
    cos = jnp.where(cos_mask, jnp.cos(arg), 0.0)
    return sin + cos


def setup_inputs(seed: int = 0) -> dict:
    key = jax.random.key(seed)
    k_idx, k_tab = jax.random.split(key)
    input_ids = jax.random.randint(k_idx, (BATCH, SEQ_LEN), 0, NUM_CLASS, dtype=jnp.int64 if jax.config.read('jax_enable_x64') else jnp.int32)
    # Embedding table (keras Embedding default: uniform init)
    table = jax.random.uniform(k_tab, (NUM_CLASS, NUM_HID), dtype=jnp.float32, minval=-0.05, maxval=0.05)
    return {"input": input_ids, "table": table}


def reference(input, table):
    # Embedding lookup (SparseCore gather) + sinusoidal positional encoding
    x = jnp.take(table, input, axis=0)  # [B, S, H]
    pe = pos_encode(SEQ_LEN, NUM_HID)   # [S, H]
    return x + pe

if __name__ == "__main__":
    import jax
    _d = setup_inputs()
    print(jax.jit(kernel)(*tuple(_d.values())))

</pallas_src>

<mosaic_0001>
#map = affine_map<(d0, d1) -> (0)>
#map1 = affine_map<(d0, d1) -> (0, 0)>
module attributes {stable_mosaic.version = 14 : i64} {
  func.func @_embed_sc(%arg0: i32, %arg1: i32, %arg2: memref<819200xi32, #tpu.memory_space<hbm>>, %arg3: memref<100000x128xf32, #tpu.memory_space<hbm>>, %arg4: memref<200x128xf32, #tpu.memory_space<hbm>>, %arg5: memref<819200x128xf32, #tpu.memory_space<hbm>>, %arg6: memref<200xi32, #tpu.memory_space<vmem>>, %arg7: memref<200x128xf32, #tpu.memory_space<vmem>>, %arg8: memref<200x128xf32, #tpu.memory_space<vmem>>, %arg9: memref<!tpu.dma_semaphore, #tpu.memory_space<semaphore_mem>>) attributes {dimension_semantics = [#tpu.dimension_semantics<core_parallel>, #tpu.dimension_semantics<subcore_parallel>], iteration_bounds = array<i64: 2, 16>, scalar_prefetch = 0 : i64, scratch_operands = 4 : i64, tpu.core_type = #tpu.core_type<sc_vector_subcore>, window_params = [{transform_indices = #map}, {transform_indices = #map1}, {transform_indices = #map1}, {transform_indices = #map1}]} {
    %mul3A = arith.constant 2 : i32
    %mul3A_0 = arith.muli %arg1, %mul3A : i32
    %add3A = arith.addi %mul3A_0, %arg0 : i32
    %mul3A_1 = arith.constant 25600 : i32
    %mul3A_2 = arith.muli %add3A, %mul3A_1 : i32
    "tpu.region"() ({
      %run_scoped3A = tpu.sem_alloc : memref<!tpu.dma_semaphore, #tpu.memory_space<semaphore_mem>>
      tpu.enqueue_dma source(%arg4 : memref<200x128xf32, #tpu.memory_space<hbm>>) target(%arg8 : memref<200x128xf32, #tpu.memory_space<vmem>>) target_semaphore(%run_scoped3A : memref<!tpu.dma_semaphore, #tpu.memory_space<semaphore_mem>>)
      tpu.wait_dma2 semaphore(%run_scoped3A : memref<!tpu.dma_semaphore, #tpu.memory_space<semaphore_mem>>) src(%arg4 : memref<200x128xf32, #tpu.memory_space<hbm>>) dst(%arg8 : memref<200x128xf32, #tpu.memory_space<vmem>>)
      tpu.yield
    }) : () -> ()
    %scan3A = arith.constant 0 : i32
    %scan3A_3 = arith.constant 0 : i32
    %scan3A_4 = arith.constant 128 : i32
    %scan3A_5 = arith.addi %scan3A_3, %scan3A_4 : i32
    %scan3A_6 = arith.constant 1 : i32
    scf.for %scan3A_8 = %scan3A_3 to %scan3A_5 step %scan3A_6  : i32 {
      %mul3A_9 = arith.constant 200 : i32
      %mul3A_10 = arith.muli %scan3A_8, %mul3A_9 : i32
      %add3A_11 = arith.addi %mul3A_2, %mul3A_10 : i32
      "tpu.region"() ({
        %run_scoped3A = tpu.sem_alloc : memref<!tpu.dma_semaphore, #tpu.memory_space<semaphore_mem>>
        %dma_start3A_22 = tpu.memref_slice %arg2[%add3A_11] : memref<819200xi32, #tpu.memory_space<hbm>> -> memref<200xi32, #tpu.memory_space<hbm>>
        %dma_start3A_23 = tpu.memref_slice %arg2[%add3A_11] : memref<819200xi32, #tpu.memory_space<hbm>> -> memref<200xi32, #tpu.memory_space<hbm>>
        tpu.enqueue_dma source(%dma_start3A_23 : memref<200xi32, #tpu.memory_space<hbm>>) target(%arg6 : memref<200xi32, #tpu.memory_space<vmem>>) target_semaphore(%run_scoped3A : memref<!tpu.dma_semaphore, #tpu.memory_space<semaphore_mem>>)
        %dma_wait3A_24 = tpu.memref_slice %arg2[%add3A_11] : memref<819200xi32, #tpu.memory_space<hbm>> -> memref<200xi32, #tpu.memory_space<hbm>>
        %dma_wait3A_25 = tpu.memref_slice %arg2[%add3A_11] : memref<819200xi32, #tpu.memory_space<hbm>> -> memref<200xi32, #tpu.memory_space<hbm>>
        tpu.wait_dma2 semaphore(%run_scoped3A : memref<!tpu.dma_semaphore, #tpu.memory_space<semaphore_mem>>) src(%dma_wait3A_25 : memref<200xi32, #tpu.memory_space<hbm>>) dst(%arg6 : memref<200xi32, #tpu.memory_space<vmem>>)
        tpu.yield
      }) : () -> ()
      %dma_start3A = arith.constant 0 : i32
      %dma_start3A_12 = arith.constant 0 : i32
      %dma_start3A_13 = tpu.memref_slice %arg3[%dma_start3A, %dma_start3A_12] : memref<100000x128xf32, #tpu.memory_space<hbm>> -> memref<100000x128xf32, #tpu.memory_space<hbm>>
      tpu.enqueue_indirect_dma source(%dma_start3A_13 : memref<100000x128xf32, #tpu.memory_space<hbm>>) target(%arg7 : memref<200x128xf32, #tpu.memory_space<vmem>>) offsets(%arg6 : memref<200xi32, #tpu.memory_space<vmem>>) semaphore(%arg9 : memref<!tpu.dma_semaphore, #tpu.memory_space<semaphore_mem>>)
      %dma_wait3A = arith.constant 0 : i32
      %dma_wait3A_14 = arith.constant 0 : i32
      %dma_wait3A_15 = tpu.memref_slice %arg3[%dma_wait3A, %dma_wait3A_14] : memref<100000x128xf32, #tpu.memory_space<hbm>> -> memref<100000x128xf32, #tpu.memory_space<hbm>>
      tpu.wait_indirect_dma semaphore(%arg9 : memref<!tpu.dma_semaphore, #tpu.memory_space<semaphore_mem>>) src(%dma_wait3A_15 : memref<100000x128xf32, #tpu.memory_space<hbm>>) dst(%arg7 : memref<200x128xf32, #tpu.memory_space<vmem>>)
      %scan3A_16 = arith.constant 0 : i32
      %scan3A_17 = arith.constant 0 : i32
      %scan3A_18 = arith.constant 200 : i32
      %scan3A_19 = arith.addi %scan3A_17, %scan3A_18 : i32
      %scan3A_20 = arith.constant 2 : i32
      scf.for %scan3A_22 = %scan3A_17 to %scan3A_19 step %scan3A_20  : i32 {
        %get3A = arith.index_cast %scan3A_22 : i32 to index
        %get3A_23 = arith.constant 0 : index
        %get3A_24 = tpu.vector_load %arg7[%get3A, %get3A_23] {strides = array<i32>} : memref<200x128xf32, #tpu.memory_space<vmem>>, vector<1x16xf32>,
        %get3A_25 = vector.shape_cast %get3A_24 : vector<1x16xf32> to vector<16xf32>
        %get3A_26 = arith.index_cast %scan3A_22 : i32 to index
        %get3A_27 = arith.constant 0 : index
        %get3A_28 = tpu.vector_load %arg8[%get3A_26, %get3A_27] {strides = array<i32>} : memref<200x128xf32, #tpu.memory_space<vmem>>, vector<1x16xf32>,
        %get3A_29 = vector.shape_cast %get3A_28 : vector<1x16xf32> to vector<16xf32>
        %add3A_30 = arith.addf %get3A_25, %get3A_29 : vector<16xf32>
        %swap3A = arith.index_cast %scan3A_22 : i32 to index
        %swap3A_31 = arith.constant 0 : index
        %swap3A_32 = tpu.vector_load %arg7[%swap3A, %swap3A_31] {strides = array<i32>} : memref<200x128xf32, #tpu.memory_space<vmem>>, vector<1x16xf32>,
        %swap3A_33 = vector.shape_cast %swap3A_32 : vector<1x16xf32> to vector<16xf32>
        %swap3A_34 = vector.shape_cast %add3A_30 : vector<16xf32> to vector<1x16xf32>
        tpu.vector_store %arg7[%swap3A, %swap3A_31], %swap3A_34 {strides = array<i32>} : memref<200x128xf32, #tpu.memory_space<vmem>>, vector<1x16xf32>,
        %get3A_35 = arith.index_cast %scan3A_22 : i32 to index
        %get3A_36 = arith.constant 16 : index
        %get3A_37 = tpu.vector_load %arg7[%get3A_35, %get3A_36] {strides = array<i32>} : memref<200x128xf32, #tpu.memory_space<vmem>>, vector<1x16xf32>,
        %get3A_38 = vector.shape_cast %get3A_37 : vector<1x16xf32> to vector<16xf32>
        %get3A_39 = arith.index_cast %scan3A_22 : i32 to index
        %get3A_40 = arith.constant 16 : index
        %get3A_41 = tpu.vector_load %arg8[%get3A_39, %get3A_40] {strides = array<i32>} : memref<200x128xf32, #tpu.memory_space<vmem>>, vector<1x16xf32>,
        %get3A_42 = vector.shape_cast %get3A_41 : vector<1x16xf32> to vector<16xf32>
        %add3A_43 = arith.addf %get3A_38, %get3A_42 : vector<16xf32>
        %swap3A_44 = arith.index_cast %scan3A_22 : i32 to index
        %swap3A_45 = arith.constant 16 : index
        %swap3A_46 = tpu.vector_load %arg7[%swap3A_44, %swap3A_45] {strides = array<i32>} : memref<200x128xf32, #tpu.memory_space<vmem>>, vector<1x16xf32>,
        %swap3A_47 = vector.shape_cast %swap3A_46 : vector<1x16xf32> to vector<16xf32>
        %swap3A_48 = vector.shape_cast %add3A_43 : vector<16xf32> to vector<1x16xf32>
        tpu.vector_store %arg7[%swap3A_44, %swap3A_45], %swap3A_48 {strides = array<i32>} : memref<200x128xf32, #tpu.memory_space<vmem>>, vector<1x16xf32>,
        %get3A_49 = arith.index_cast %scan3A_22 : i32 to index
        %get3A_50 = arith.constant 32 : index
        %get3A_51 = tpu.vector_load %arg7[%get3A_49, %get3A_50] {strides = array<i32>} : memref<200x128xf32, #tpu.memory_space<vmem>>, vector<1x16xf32>,
        %get3A_52 = vector.shape_cast %get3A_51 : vector<1x16xf32> to vector<16xf32>
        %get3A_53 = arith.index_cast %scan3A_22 : i32 to index
        %get3A_54 = arith.constant 32 : index
        %get3A_55 = tpu.vector_load %arg8[%get3A_53, %get3A_54] {strides = array<i32>} : memref<200x128xf32, #tpu.memory_space<vmem>>, vector<1x16xf32>,
        %get3A_56 = vector.shape_cast %get3A_55 : vector<1x16xf32> to vector<16xf32>
        %add3A_57 = arith.addf %get3A_52, %get3A_56 : vector<16xf32>
        %swap3A_58 = arith.index_cast %scan3A_22 : i32 to index
        %swap3A_59 = arith.constant 32 : index
        %swap3A_60 = tpu.vector_load %arg7[%swap3A_58, %swap3A_59] {strides = array<i32>} : memref<200x128xf32, #tpu.memory_space<vmem>>, vector<1x16xf32>,
        %swap3A_61 = vector.shape_cast %swap3A_60 : vector<1x16xf32> to vector<16xf32>
        %swap3A_62 = vector.shape_cast %add3A_57 : vector<16xf32> to vector<1x16xf32>
        tpu.vector_store %arg7[%swap3A_58, %swap3A_59], %swap3A_62 {strides = array<i32>} : memref<200x128xf32, #tpu.memory_space<vmem>>, vector<1x16xf32>,
        %get3A_63 = arith.index_cast %scan3A_22 : i32 to index
        %get3A_64 = arith.constant 48 : index
        %get3A_65 = tpu.vector_load %arg7[%get3A_63, %get3A_64] {strides = array<i32>} : memref<200x128xf32, #tpu.memory_space<vmem>>, vector<1x16xf32>,
        %get3A_66 = vector.shape_cast %get3A_65 : vector<1x16xf32> to vector<16xf32>
        %get3A_67 = arith.index_cast %scan3A_22 : i32 to index
        %get3A_68 = arith.constant 48 : index
        %get3A_69 = tpu.vector_load %arg8[%get3A_67, %get3A_68] {strides = array<i32>} : memref<200x128xf32, #tpu.memory_space<vmem>>, vector<1x16xf32>,
        %get3A_70 = vector.shape_cast %get3A_69 : vector<1x16xf32> to vector<16xf32>
        %add3A_71 = arith.addf %get3A_66, %get3A_70 : vector<16xf32>
        %swap3A_72 = arith.index_cast %scan3A_22 : i32 to index
        %swap3A_73 = arith.constant 48 : index
        %swap3A_74 = tpu.vector_load %arg7[%swap3A_72, %swap3A_73] {strides = array<i32>} : memref<200x128xf32, #tpu.memory_space<vmem>>, vector<1x16xf32>,
        %swap3A_75 = vector.shape_cast %swap3A_74 : vector<1x16xf32> to vector<16xf32>
        %swap3A_76 = vector.shape_cast %add3A_71 : vector<16xf32> to vector<1x16xf32>
        tpu.vector_store %arg7[%swap3A_72, %swap3A_73], %swap3A_76 {strides = array<i32>} : memref<200x128xf32, #tpu.memory_space<vmem>>, vector<1x16xf32>,
        %get3A_77 = arith.index_cast %scan3A_22 : i32 to index
        %get3A_78 = arith.constant 64 : index
        %get3A_79 = tpu.vector_load %arg7[%get3A_77, %get3A_78] {strides = array<i32>} : memref<200x128xf32, #tpu.memory_space<vmem>>, vector<1x16xf32>,
        %get3A_80 = vector.shape_cast %get3A_79 : vector<1x16xf32> to vector<16xf32>
        %get3A_81 = arith.index_cast %scan3A_22 : i32 to index
        %get3A_82 = arith.constant 64 : index
        %get3A_83 = tpu.vector_load %arg8[%get3A_81, %get3A_82] {strides = array<i32>} : memref<200x128xf32, #tpu.memory_space<vmem>>, vector<1x16xf32>,
        %get3A_84 = vector.shape_cast %get3A_83 : vector<1x16xf32> to vector<16xf32>
        %add3A_85 = arith.addf %get3A_80, %get3A_84 : vector<16xf32>
        %swap3A_86 = arith.index_cast %scan3A_22 : i32 to index
        %swap3A_87 = arith.constant 64 : index
        %swap3A_88 = tpu.vector_load %arg7[%swap3A_86, %swap3A_87] {strides = array<i32>} : memref<200x128xf32, #tpu.memory_space<vmem>>, vector<1x16xf32>,
        %swap3A_89 = vector.shape_cast %swap3A_88 : vector<1x16xf32> to vector<16xf32>
        %swap3A_90 = vector.shape_cast %add3A_85 : vector<16xf32> to vector<1x16xf32>
        tpu.vector_store %arg7[%swap3A_86, %swap3A_87], %swap3A_90 {strides = array<i32>} : memref<200x128xf32, #tpu.memory_space<vmem>>, vector<1x16xf32>,
        %get3A_91 = arith.index_cast %scan3A_22 : i32 to index
        %get3A_92 = arith.constant 80 : index
        %get3A_93 = tpu.vector_load %arg7[%get3A_91, %get3A_92] {strides = array<i32>} : memref<200x128xf32, #tpu.memory_space<vmem>>, vector<1x16xf32>,
        %get3A_94 = vector.shape_cast %get3A_93 : vector<1x16xf32> to vector<16xf32>
        %get3A_95 = arith.index_cast %scan3A_22 : i32 to index
        %get3A_96 = arith.constant 80 : index
        %get3A_97 = tpu.vector_load %arg8[%get3A_95, %get3A_96] {strides = array<i32>} : memref<200x128xf32, #tpu.memory_space<vmem>>, vector<1x16xf32>,
        %get3A_98 = vector.shape_cast %get3A_97 : vector<1x16xf32> to vector<16xf32>
        %add3A_99 = arith.addf %get3A_94, %get3A_98 : vector<16xf32>
        %swap3A_100 = arith.index_cast %scan3A_22 : i32 to index
        %swap3A_101 = arith.constant 80 : index
        %swap3A_102 = tpu.vector_load %arg7[%swap3A_100, %swap3A_101] {strides = array<i32>} : memref<200x128xf32, #tpu.memory_space<vmem>>, vector<1x16xf32>,
        %swap3A_103 = vector.shape_cast %swap3A_102 : vector<1x16xf32> to vector<16xf32>
        %swap3A_104 = vector.shape_cast %add3A_99 : vector<16xf32> to vector<1x16xf32>
        tpu.vector_store %arg7[%swap3A_100, %swap3A_101], %swap3A_104 {strides = array<i32>} : memref<200x128xf32, #tpu.memory_space<vmem>>, vector<1x16xf32>,
        %get3A_105 = arith.index_cast %scan3A_22 : i32 to index
        %get3A_106 = arith.constant 96 : index
        %get3A_107 = tpu.vector_load %arg7[%get3A_105, %get3A_106] {strides = array<i32>} : memref<200x128xf32, #tpu.memory_space<vmem>>, vector<1x16xf32>,
        %get3A_108 = vector.shape_cast %get3A_107 : vector<1x16xf32> to vector<16xf32>
        %get3A_109 = arith.index_cast %scan3A_22 : i32 to index
        %get3A_110 = arith.constant 96 : index
        %get3A_111 = tpu.vector_load %arg8[%get3A_109, %get3A_110] {strides = array<i32>} : memref<200x128xf32, #tpu.memory_space<vmem>>, vector<1x16xf32>,
        %get3A_112 = vector.shape_cast %get3A_111 : vector<1x16xf32> to vector<16xf32>
        %add3A_113 = arith.addf %get3A_108, %get3A_112 : vector<16xf32>
        %swap3A_114 = arith.index_cast %scan3A_22 : i32 to index
        %swap3A_115 = arith.constant 96 : index
        %swap3A_116 = tpu.vector_load %arg7[%swap3A_114, %swap3A_115] {strides = array<i32>} : memref<200x128xf32, #tpu.memory_space<vmem>>, vector<1x16xf32>,
        %swap3A_117 = vector.shape_cast %swap3A_116 : vector<1x16xf32> to vector<16xf32>
        %swap3A_118 = vector.shape_cast %add3A_113 : vector<16xf32> to vector<1x16xf32>
        tpu.vector_store %arg7[%swap3A_114, %swap3A_115], %swap3A_118 {strides = array<i32>} : memref<200x128xf32, #tpu.memory_space<vmem>>, vector<1x16xf32>,
        %get3A_119 = arith.index_cast %scan3A_22 : i32 to index
        %get3A_120 = arith.constant 112 : index
        %get3A_121 = tpu.vector_load %arg7[%get3A_119, %get3A_120] {strides = array<i32>} : memref<200x128xf32, #tpu.memory_space<vmem>>, vector<1x16xf32>,
        %get3A_122 = vector.shape_cast %get3A_121 : vector<1x16xf32> to vector<16xf32>
        %get3A_123 = arith.index_cast %scan3A_22 : i32 to index
        %get3A_124 = arith.constant 112 : index
        %get3A_125 = tpu.vector_load %arg8[%get3A_123, %get3A_124] {strides = array<i32>} : memref<200x128xf32, #tpu.memory_space<vmem>>, vector<1x16xf32>,
        %get3A_126 = vector.shape_cast %get3A_125 : vector<1x16xf32> to vector<16xf32>
        %add3A_127 = arith.addf %get3A_122, %get3A_126 : vector<16xf32>
        %swap3A_128 = arith.index_cast %scan3A_22 : i32 to index
        %swap3A_129 = arith.constant 112 : index
        %swap3A_130 = tpu.vector_load %arg7[%swap3A_128, %swap3A_129] {strides = array<i32>} : memref<200x128xf32, #tpu.memory_space<vmem>>, vector<1x16xf32>,
        %swap3A_131 = vector.shape_cast %swap3A_130 : vector<1x16xf32> to vector<16xf32>
        %swap3A_132 = vector.shape_cast %add3A_127 : vector<16xf32> to vector<1x16xf32>
        tpu.vector_store %arg7[%swap3A_128, %swap3A_129], %swap3A_132 {strides = array<i32>} : memref<200x128xf32, #tpu.memory_space<vmem>>, vector<1x16xf32>,
        %scan3A_133 = arith.constant 1 : i32
        %scan3A_134 = arith.addi %scan3A_22, %scan3A_133 : i32
        %get3A_135 = arith.index_cast %scan3A_134 : i32 to index
        %get3A_136 = arith.constant 0 : index
        %get3A_137 = tpu.vector_load %arg7[%get3A_135, %get3A_136] {strides = array<i32>} : memref<200x128xf32, #tpu.memory_space<vmem>>, vector<1x16xf32>,
        %get3A_138 = vector.shape_cast %get3A_137 : vector<1x16xf32> to vector<16xf32>
        %get3A_139 = arith.index_cast %scan3A_134 : i32 to index
        %get3A_140 = arith.constant 0 : index
        %get3A_141 = tpu.vector_load %arg8[%get3A_139, %get3A_140] {strides = array<i32>} : memref<200x128xf32, #tpu.memory_space<vmem>>, vector<1x16xf32>,
        %get3A_142 = vector.shape_cast %get3A_141 : vector<1x16xf32> to vector<16xf32>
        %add3A_143 = arith.addf %get3A_138, %get3A_142 : vector<16xf32>
        %swap3A_144 = arith.index_cast %scan3A_134 : i32 to index
        %swap3A_145 = arith.constant 0 : index
        %swap3A_146 = tpu.vector_load %arg7[%swap3A_144, %swap3A_145] {strides = array<i32>} : memref<200x128xf32, #tpu.memory_space<vmem>>, vector<1x16xf32>,
        %swap3A_147 = vector.shape_cast %swap3A_146 : vector<1x16xf32> to vector<16xf32>
        %swap3A_148 = vector.shape_cast %add3A_143 : vector<16xf32> to vector<1x16xf32>
        tpu.vector_store %arg7[%swap3A_144, %swap3A_145], %swap3A_148 {strides = array<i32>} : memref<200x128xf32, #tpu.memory_space<vmem>>, vector<1x16xf32>,
        %get3A_149 = arith.index_cast %scan3A_134 : i32 to index
        %get3A_150 = arith.constant 16 : index
        %get3A_151 = tpu.vector_load %arg7[%get3A_149, %get3A_150] {strides = array<i32>} : memref<200x128xf32, #tpu.memory_space<vmem>>, vector<1x16xf32>,
        %get3A_152 = vector.shape_cast %get3A_151 : vector<1x16xf32> to vector<16xf32>
        %get3A_153 = arith.index_cast %scan3A_134 : i32 to index
        %get3A_154 = arith.constant 16 : index
        %get3A_155 = tpu.vector_load %arg8[%get3A_153, %get3A_154] {strides = array<i32>} : memref<200x128xf32, #tpu.memory_space<vmem>>, vector<1x16xf32>,
        %get3A_156 = vector.shape_cast %get3A_155 : vector<1x16xf32> to vector<16xf32>
        %add3A_157 = arith.addf %get3A_152, %get3A_156 : vector<16xf32>
        %swap3A_158 = arith.index_cast %scan3A_134 : i32 to index
        %swap3A_159 = arith.constant 16 : index
        %swap3A_160 = tpu.vector_load %arg7[%swap3A_158, %swap3A_159] {strides = array<i32>} : memref<200x128xf32, #tpu.memory_space<vmem>>, vector<1x16xf32>,
        %swap3A_161 = vector.shape_cast %swap3A_160 : vector<1x16xf32> to vector<16xf32>
        %swap3A_162 = vector.shape_cast %add3A_157 : vector<16xf32> to vector<1x16xf32>
        tpu.vector_store %arg7[%swap3A_158, %swap3A_159], %swap3A_162 {strides = array<i32>} : memref<200x128xf32, #tpu.memory_space<vmem>>, vector<1x16xf32>,
        %get3A_163 = arith.index_cast %scan3A_134 : i32 to index
        %get3A_164 = arith.constant 32 : index
        %get3A_165 = tpu.vector_load %arg7[%get3A_163, %get3A_164] {strides = array<i32>} : memref<200x128xf32, #tpu.memory_space<vmem>>, vector<1x16xf32>,
        %get3A_166 = vector.shape_cast %get3A_165 : vector<1x16xf32> to vector<16xf32>
        %get3A_167 = arith.index_cast %scan3A_134 : i32 to index
        %get3A_168 = arith.constant 32 : index
        %get3A_169 = tpu.vector_load %arg8[%get3A_167, %get3A_168] {strides = array<i32>} : memref<200x128xf32, #tpu.memory_space<vmem>>, vector<1x16xf32>,
        %get3A_170 = vector.shape_cast %get3A_169 : vector<1x16xf32> to vector<16xf32>
        %add3A_171 = arith.addf %get3A_166, %get3A_170 : vector<16xf32>
        %swap3A_172 = arith.index_cast %scan3A_134 : i32 to index
        %swap3A_173 = arith.constant 32 : index
        %swap3A_174 = tpu.vector_load %arg7[%swap3A_172, %swap3A_173] {strides = array<i32>} : memref<200x128xf32, #tpu.memory_space<vmem>>, vector<1x16xf32>,
        %swap3A_175 = vector.shape_cast %swap3A_174 : vector<1x16xf32> to vector<16xf32>
        %swap3A_176 = vector.shape_cast %add3A_171 : vector<16xf32> to vector<1x16xf32>
        tpu.vector_store %arg7[%swap3A_172, %swap3A_173], %swap3A_176 {strides = array<i32>} : memref<200x128xf32, #tpu.memory_space<vmem>>, vector<1x16xf32>,
        %get3A_177 = arith.index_cast %scan3A_134 : i32 to index
        %get3A_178 = arith.constant 48 : index
        %get3A_179 = tpu.vector_load %arg7[%get3A_177, %get3A_178] {strides = array<i32>} : memref<200x128xf32, #tpu.memory_space<vmem>>, vector<1x16xf32>,
        %get3A_180 = vector.shape_cast %get3A_179 : vector<1x16xf32> to vector<16xf32>
        %get3A_181 = arith.index_cast %scan3A_134 : i32 to index
        %get3A_182 = arith.constant 48 : index
        %get3A_183 = tpu.vector_load %arg8[%get3A_181, %get3A_182] {strides = array<i32>} : memref<200x128xf32, #tpu.memory_space<vmem>>, vector<1x16xf32>,
        %get3A_184 = vector.shape_cast %get3A_183 : vector<1x16xf32> to vector<16xf32>
        %add3A_185 = arith.addf %get3A_180, %get3A_184 : vector<16xf32>
        %swap3A_186 = arith.index_cast %scan3A_134 : i32 to index
        %swap3A_187 = arith.constant 48 : index
        %swap3A_188 = tpu.vector_load %arg7[%swap3A_186, %swap3A_187] {strides = array<i32>} : memref<200x128xf32, #tpu.memory_space<vmem>>, vector<1x16xf32>,
        %swap3A_189 = vector.shape_cast %swap3A_188 : vector<1x16xf32> to vector<16xf32>
        %swap3A_190 = vector.shape_cast %add3A_185 : vector<16xf32> to vector<1x16xf32>
        tpu.vector_store %arg7[%swap3A_186, %swap3A_187], %swap3A_190 {strides = array<i32>} : memref<200x128xf32, #tpu.memory_space<vmem>>, vector<1x16xf32>,
        %get3A_191 = arith.index_cast %scan3A_134 : i32 to index
        %get3A_192 = arith.constant 64 : index
        %get3A_193 = tpu.vector_load %arg7[%get3A_191, %get3A_192] {strides = array<i32>} : memref<200x128xf32, #tpu.memory_space<vmem>>, vector<1x16xf32>,
        %get3A_194 = vector.shape_cast %get3A_193 : vector<1x16xf32> to vector<16xf32>
        %get3A_195 = arith.index_cast %scan3A_134 : i32 to index
        %get3A_196 = arith.constant 64 : index
        %get3A_197 = tpu.vector_load %arg8[%get3A_195, %get3A_196] {strides = array<i32>} : memref<200x128xf32, #tpu.memory_space<vmem>>, vector<1x16xf32>,
        %get3A_198 = vector.shape_cast %get3A_197 : vector<1x16xf32> to vector<16xf32>
        %add3A_199 = arith.addf %get3A_194, %get3A_198 : vector<16xf32>
        %swap3A_200 = arith.index_cast %scan3A_134 : i32 to index
        %swap3A_201 = arith.constant 64 : index
        %swap3A_202 = tpu.vector_load %arg7[%swap3A_200, %swap3A_201] {strides = array<i32>} : memref<200x128xf32, #tpu.memory_space<vmem>>, vector<1x16xf32>,
        %swap3A_203 = vector.shape_cast %swap3A_202 : vector<1x16xf32> to vector<16xf32>
        %swap3A_204 = vector.shape_cast %add3A_199 : vector<16xf32> to vector<1x16xf32>
        tpu.vector_store %arg7[%swap3A_200, %swap3A_201], %swap3A_204 {strides = array<i32>} : memref<200x128xf32, #tpu.memory_space<vmem>>, vector<1x16xf32>,
        %get3A_205 = arith.index_cast %scan3A_134 : i32 to index
        %get3A_206 = arith.constant 80 : index
        %get3A_207 = tpu.vector_load %arg7[%get3A_205, %get3A_206] {strides = array<i32>} : memref<200x128xf32, #tpu.memory_space<vmem>>, vector<1x16xf32>,
        %get3A_208 = vector.shape_cast %get3A_207 : vector<1x16xf32> to vector<16xf32>
        %get3A_209 = arith.index_cast %scan3A_134 : i32 to index
        %get3A_210 = arith.constant 80 : index
        %get3A_211 = tpu.vector_load %arg8[%get3A_209, %get3A_210] {strides = array<i32>} : memref<200x128xf32, #tpu.memory_space<vmem>>, vector<1x16xf32>,
        %get3A_212 = vector.shape_cast %get3A_211 : vector<1x16xf32> to vector<16xf32>
        %add3A_213 = arith.addf %get3A_208, %get3A_212 : vector<16xf32>
        %swap3A_214 = arith.index_cast %scan3A_134 : i32 to index
        %swap3A_215 = arith.constant 80 : index
        %swap3A_216 = tpu.vector_load %arg7[%swap3A_214, %swap3A_215] {strides = array<i32>} : memref<200x128xf32, #tpu.memory_space<vmem>>, vector<1x16xf32>,
        %swap3A_217 = vector.shape_cast %swap3A_216 : vector<1x16xf32> to vector<16xf32>
        %swap3A_218 = vector.shape_cast %add3A_213 : vector<16xf32> to vector<1x16xf32>
        tpu.vector_store %arg7[%swap3A_214, %swap3A_215], %swap3A_218 {strides = array<i32>} : memref<200x128xf32, #tpu.memory_space<vmem>>, vector<1x16xf32>,
        %get3A_219 = arith.index_cast %scan3A_134 : i32 to index
        %get3A_220 = arith.constant 96 : index
        %get3A_221 = tpu.vector_load %arg7[%get3A_219, %get3A_220] {strides = array<i32>} : memref<200x128xf32, #tpu.memory_space<vmem>>, vector<1x16xf32>,
        %get3A_222 = vector.shape_cast %get3A_221 : vector<1x16xf32> to vector<16xf32>
        %get3A_223 = arith.index_cast %scan3A_134 : i32 to index
        %get3A_224 = arith.constant 96 : index
        %get3A_225 = tpu.vector_load %arg8[%get3A_223, %get3A_224] {strides = array<i32>} : memref<200x128xf32, #tpu.memory_space<vmem>>, vector<1x16xf32>,
        %get3A_226 = vector.shape_cast %get3A_225 : vector<1x16xf32> to vector<16xf32>
        %add3A_227 = arith.addf %get3A_222, %get3A_226 : vector<16xf32>
        %swap3A_228 = arith.index_cast %scan3A_134 : i32 to index
        %swap3A_229 = arith.constant 96 : index
        %swap3A_230 = tpu.vector_load %arg7[%swap3A_228, %swap3A_229] {strides = array<i32>} : memref<200x128xf32, #tpu.memory_space<vmem>>, vector<1x16xf32>,
        %swap3A_231 = vector.shape_cast %swap3A_230 : vector<1x16xf32> to vector<16xf32>
        %swap3A_232 = vector.shape_cast %add3A_227 : vector<16xf32> to vector<1x16xf32>
        tpu.vector_store %arg7[%swap3A_228, %swap3A_229], %swap3A_232 {strides = array<i32>} : memref<200x128xf32, #tpu.memory_space<vmem>>, vector<1x16xf32>,
        %get3A_233 = arith.index_cast %scan3A_134 : i32 to index
        %get3A_234 = arith.constant 112 : index
        %get3A_235 = tpu.vector_load %arg7[%get3A_233, %get3A_234] {strides = array<i32>} : memref<200x128xf32, #tpu.memory_space<vmem>>, vector<1x16xf32>,
        %get3A_236 = vector.shape_cast %get3A_235 : vector<1x16xf32> to vector<16xf32>
        %get3A_237 = arith.index_cast %scan3A_134 : i32 to index
        %get3A_238 = arith.constant 112 : index
        %get3A_239 = tpu.vector_load %arg8[%get3A_237, %get3A_238] {strides = array<i32>} : memref<200x128xf32, #tpu.memory_space<vmem>>, vector<1x16xf32>,
        %get3A_240 = vector.shape_cast %get3A_239 : vector<1x16xf32> to vector<16xf32>
        %add3A_241 = arith.addf %get3A_236, %get3A_240 : vector<16xf32>
        %swap3A_242 = arith.index_cast %scan3A_134 : i32 to index
        %swap3A_243 = arith.constant 112 : index
        %swap3A_244 = tpu.vector_load %arg7[%swap3A_242, %swap3A_243] {strides = array<i32>} : memref<200x128xf32, #tpu.memory_space<vmem>>, vector<1x16xf32>,
        %swap3A_245 = vector.shape_cast %swap3A_244 : vector<1x16xf32> to vector<16xf32>
        %swap3A_246 = vector.shape_cast %add3A_241 : vector<16xf32> to vector<1x16xf32>
        tpu.vector_store %arg7[%swap3A_242, %swap3A_243], %swap3A_246 {strides = array<i32>} : memref<200x128xf32, #tpu.memory_space<vmem>>, vector<1x16xf32>,
      }
      %scan3A_21 = arith.constant 200 : i32
      "tpu.region"() ({
        %run_scoped3A = tpu.sem_alloc : memref<!tpu.dma_semaphore, #tpu.memory_space<semaphore_mem>>
        %dma_start3A_22 = arith.constant 0 : i32
        %dma_start3A_23 = tpu.memref_slice %arg5[%add3A_11, %dma_start3A_22] : memref<819200x128xf32, #tpu.memory_space<hbm>> -> memref<200x128xf32, #tpu.memory_space<hbm>>
        %dma_start3A_24 = arith.constant 0 : i32
        %dma_start3A_25 = tpu.memref_slice %arg5[%add3A_11, %dma_start3A_24] : memref<819200x128xf32, #tpu.memory_space<hbm>> -> memref<200x128xf32, #tpu.memory_space<hbm>>
        tpu.enqueue_dma source(%arg7 : memref<200x128xf32, #tpu.memory_space<vmem>>) target(%dma_start3A_25 : memref<200x128xf32, #tpu.memory_space<hbm>>) target_semaphore(%run_scoped3A : memref<!tpu.dma_semaphore, #tpu.memory_space<semaphore_mem>>)
        %dma_wait3A_26 = arith.constant 0 : i32
        %dma_wait3A_27 = tpu.memref_slice %arg5[%add3A_11, %dma_wait3A_26] : memref<819200x128xf32, #tpu.memory_space<hbm>> -> memref<200x128xf32, #tpu.memory_space<hbm>>
        %dma_wait3A_28 = arith.constant 0 : i32
        %dma_wait3A_29 = tpu.memref_slice %arg5[%add3A_11, %dma_wait3A_28] : memref<819200x128xf32, #tpu.memory_space<hbm>> -> memref<200x128xf32, #tpu.memory_space<hbm>>
        tpu.wait_dma2 semaphore(%run_scoped3A : memref<!tpu.dma_semaphore, #tpu.memory_space<semaphore_mem>>) src(%arg7 : memref<200x128xf32, #tpu.memory_space<vmem>>) dst(%dma_wait3A_29 : memref<200x128xf32, #tpu.memory_space<hbm>>)
        tpu.yield
      }) : () -> ()
    }
    %scan3A_7 = arith.constant 128 : i32
    return
  }
}

</mosaic_0001>

<sc_bundles>
// kernel: kernel.3.cloned.1.call-start
scs
__scs_entry_jumppad:
0x0: {  	(pc) =	sbr.rel $0x88, $3  }
0x1: {  	(tag) =	ssettag $0x0;
	lr =	simm.s32 $0x1  }
0x2: {  	[smem:$0x3F9F] =	sst lr;
	_ =	strace $0xD0000000  }
0x3: {  	_ = 	snop  }
0x4: {  	_ = 	snop  }
0x5: {  	_ = 	snop  }
0x6: {  	_ = 	snop  }
0x7: {  	_ = 	snop  }
__scs_overlays_trampoline_lowered:
0x8: {  	[smem:$0x3FAE] =	sst s0  }
0x9: {  	[smem:$0x3FAF] =	sst s1  }
0xa: {  	[smem:$0x3FB0] =	sst s2  }
0xb: {  	[smem:$0x3FB1] =	sst s3  }
0xc: {  	[smem:$0x3FB2] =	sst s4  }
0xd: {  	[smem:$0x3FB3] =	sst s5  }
0xe: {  	[smem:$0x3FB4] =	sst s6  }
0xf: {  	[smem:$0x3FB5] =	sst s7  }
0x10: {  	[smem:$0x3FB6] =	sst s8  }
0x11: {  	[smem:$0x3FB7] =	sst s9;
	s0 =	simm.s32 @!p0 $0x0  }
0x12: {  	s1 =	sld [smem:$0x3F9D];
	s0 =	simm.s32 @p0 $0x1  }
0x13: {  	[smem:$0x3FB8] =	sst s0;
	s0 =	simm.s32 @!p1 $0x0  }
0x14: {  	s2 =	sld [smem:$0x3F9C];
	s0 =	simm.s32 @p1 $0x1  }
0x15: {  	[smem:$0x3FB9] =	sst s0;
	s0 =	simm.s32 @!p2 $0x0  }
0x16: {  	s3 =	sld [smem:$0x3FDB];
	s0 =	simm.s32 @p2 $0x1  }
0x17: {  	s4 =	simm.s32 $0x1BF5;
	[smem:$0x3FBB] =	sst s0  }
0x18: {  	s0 =	sld [smem:$0x3F9E];
	_ =	swait.ge [sflag:s4], $0x0  }
0x19: {  	s7 =	sld [smem:$0x3F9F]  }
0x1a: {  	s8 =	sadd.s32 $0xFFFFE003, lr  }
0x1b: {  	s9 =	sadd.s32 $0xFFFFFEF7, lr;
	s5 =	simm.s32 $0xFFFFFFFF;
	p2 =	slt.u32 s8, $0xFFFFF086  }
0x1c: {  	p1 =	slt.u32 s9, $0xF7A;
	s5 =	simm.s32 @!p2 $0x0  }
0x1d: {  	s5 =	simm.s32 @p1 $0x1;
	p0 =	seq.s32 s7, s2  }
0x1e: {  	s7 =	smul.u32 @!p0 $0xF7A, s2;
	p2 =	seq.s32 @!p0 s5, $0x0  }
0x1f: {  	s9 =	smul.u32 $0xF7A, s1;
	s8 =	simm.s32 @!p0 $0x1BF5;
	p2 =	por !p2, p0  }
0x20: {  	[sflag:s8] =	ssyncset.s32 @!p0 $0xFFFFF086;
	s6 =	sadd.s32 @!p0 s3, s7;
	s7 =	simm.s32 @!p0 $0x108  }
0x21: {  	s3 =	sadd.s32 s3, s9;
	s6 =	sadd.s32 @!p0 $0x88, s6;
	s7 =	simm.s32 @p2 $0x1082  }
0x22: {  	[simem:s7], [sflag:s8] =	dma.local @!p0 [hbm:s6], $0xF7A  }
0x23: {  	s9 =	sor.u32 $0xD0000000, s2;
	s6 =	simm.s32 $0x108;
	_ =	swait.ge @!p0 [sflag:s8], $0x0  }
0x24: {  	s3 =	sadd.s32 $0x88, s3;
	s6 =	simm.s32 @!p1 $0x1082;
	[sflag:s4] =	ssyncset.s32 $0xFFFFF086  }
0x25: {  	[simem:s6], [sflag:s4] =	dma.local [hbm:s3], $0xF7A  }
0x26: {  	[smem:$0x3F9F] =	sst s1;
	(tag) =	ssettag s2;
	_ =	strace s9  }
0x27: {  	s1 =	sld [smem:$0x3FAF]  }
0x28: {  	s2 =	sld [smem:$0x3FB0]  }
0x29: {  	s4 =	sld [smem:$0x3FB2]  }
0x2a: {  	p0 =	seq.s32 s5, $0x0;
	s5 =	sld [smem:$0x3FB3]  }
0x2b: {  	s6 =	sld [smem:$0x3FB4]  }
0x2c: {  	s7 =	sld [smem:$0x3FB5]  }
0x2d: {  	s3 =	simm.s32 $0x108;
	s8 =	sld [smem:$0x3FB6]  }
0x2e: {  	s3 =	simm.s32 @!p0 $0x1082;
	s9 =	sld [smem:$0x3FB7]  }
0x2f: {  	lr =	sadd.s32 s0, s3;
	s0 =	sld [smem:$0x3FAE]  }
0x30: {  	s3 =	sld [smem:$0x3FB1]  }
0x31: {  	[smem:$0x3FBA] =	sst s10  }
0x32: {  	s10 =	sld [smem:$0x3FB8];
	_ =	sdelay $0x3  }
0x33: {  	p0 =	seq.s32 s10, $0x1;
	s10 =	sld [smem:$0x3FBA];
	_ =	sdelay $0x3  }
0x34: {  	[smem:$0x3FBA] =	sst s10  }
0x35: {  	s10 =	sld [smem:$0x3FB9];
	_ =	sdelay $0x3  }
0x36: {  	p1 =	seq.s32 s10, $0x1;
	s10 =	sld [smem:$0x3FBA];
	_ =	sdelay $0x3  }
0x37: {  	[smem:$0x3FBA] =	sst s10  }
0x38: {  	s10 =	sld [smem:$0x3FBB]  }
0x39: {  	_ = 	snop;
	(pc) =	sbr.ind lr, $3  }
0x3a: {  	_ = 	snop  }
0x3b: {  	_ = 	snop  }
0x3c: {  	p2 =	seq.s32 s10, $0x1;
	s10 =	sld [smem:$0x3FBA]  }
0x3d: {  	_ =	shalt  }
0x3e: {  	_ =	shalt  }
0x3f: {  	_ =	shalt  }
0x40: {  	_ =	shalt  }
0x41: {  	_ =	shalt  }
0x42: {  	_ =	shalt  }
0x43: {  	_ =	shalt  }
0x44: {  	_ =	shalt  }
0x45: {  	_ =	shalt  }
0x46: {  	_ =	shalt  }
0x47: {  	_ =	shalt  }
0x48: {  	_ =	shalt  }
0x49: {  	_ =	shalt  }
0x4a: {  	_ =	shalt  }
0x4b: {  	_ =	shalt  }
0x4c: {  	_ =	shalt  }
0x4d: {  	_ =	shalt  }
0x4e: {  	_ =	shalt  }
0x4f: {  	_ =	shalt  }
0x50: {  	_ =	shalt  }
0x51: {  	_ =	shalt  }
0x52: {  	_ =	shalt  }
0x53: {  	_ =	shalt  }
0x54: {  	_ =	shalt  }
0x55: {  	_ =	shalt  }
0x56: {  	_ =	shalt  }
0x57: {  	_ =	shalt  }
0x58: {  	_ =	shalt  }
0x59: {  	_ =	shalt  }
0x5a: {  	_ =	shalt  }
0x5b: {  	_ =	shalt  }
0x5c: {  	_ =	shalt  }
0x5d: {  	_ =	shalt  }
0x5e: {  	_ =	shalt  }
0x5f: {  	_ =	shalt  }
0x60: {  	_ =	shalt  }
0x61: {  	_ =	shalt  }
0x62: {  	_ =	shalt  }
0x63: {  	_ =	shalt  }
0x64: {  	_ =	shalt  }
0x65: {  	_ =	shalt  }
0x66: {  	_ =	shalt  }
0x67: {  	_ =	shalt  }
0x68: {  	_ =	shalt  }
0x69: {  	_ =	shalt  }
0x6a: {  	_ =	shalt  }
0x6b: {  	_ =	shalt  }
0x6c: {  	_ =	shalt  }
0x6d: {  	_ =	shalt  }
0x6e: {  	_ =	shalt  }
0x6f: {  	_ =	shalt  }
0x70: {  	_ =	shalt  }
0x71: {  	_ =	shalt  }
0x72: {  	_ =	shalt  }
0x73: {  	_ =	shalt  }
0x74: {  	_ =	shalt  }
0x75: {  	_ =	shalt  }
0x76: {  	_ =	shalt  }
0x77: {  	_ =	shalt  }
0x78: {  	_ =	shalt  }
0x79: {  	_ =	shalt  }
0x7a: {  	_ =	shalt  }
0x7b: {  	_ =	shalt  }
0x7c: {  	_ =	shalt  }
0x7d: {  	_ =	shalt  }
0x7e: {  	_ =	shalt  }
0x7f: {  	_ =	shalt  }
0x80: {  	_ =	shalt  }
0x81: {  	_ =	shalt  }
0x82: {  	_ =	shalt  }
0x83: {  	_ =	shalt  }
0x84: {  	_ =	shalt  }
0x85: {  	_ =	shalt  }
0x86: {  	_ =	shalt  }
0x87: {  	_ =	shalt  }
.Lfunc_end0:
.L_simem_size_0:
called_computation_lowered:
.L_overlay_start_0:
0x88: {  	s2 =	sld [smem:$0x3FD9]  }
0x89: {  	s3 =	sld [smem:$0x3FFE];
	_ =	sdelay $0x1  }
0x8a: {  	s1 =	srdreg.scid  }
0x8b: {  	s0 =	sand.u32 $0x1, s1  }
0x8c: {  	s17 =	sshll.u32 s0, $0xA;
	s2 =	sadd.s32 s3, s2  }
0x8d: {  	s2 =	sadd.s32 s2, s17  }
0x8e: {  	[smem:$0x3FC6] =	sst s2  }
0x8f: {  	_ = 	snop  }
0x90: {  	s2 =	sld [smem:$0x3FC8]  }
0x91: {  	s18 =	sld [smem:$0x3FD0];
	(tm) =	ssettm $0x1  }
0x92: {  	s4 =	sld [smem:$0x3FFB];
	_ =	sdelay $0x3  }
0x93: {  	_ =	strace s4  }
0x94: {  	s4 =	sld [smem:$0x3FFC];
	_ =	sdelay $0x3  }
0x95: {  	_ =	strace s4  }
0x96: {  	s4 =	sld [smem:$0x3FFD];
	_ =	sdelay $0x3  }
0x97: {  	_ =	strace s4  }
0x98: {  	_ =	strace $0x8FFFFFFF  }
0x99: {  	s19 =	sld [smem:$0x3FDB];
	_ =	sdelay $0x1  }
0x9a: {  	s5 =	simm.s32 $_scs_section_size  }
0x9b: {  	s6 =	simm.s32 $_size__tile_overlayer_lowered;
	s7 =	simm.s32 $_tile_overlayer_lowered  }
0x9c: {  	s22 =	simm.s32 $0x1BFF;
	s21 =	sshll.u32 s7, $0x1;
	s4 =	sadd.s32 s5, s19  }
0x9d: {  	s8 =	simm.s32 $0x0;
	s20 =	sshll.u32 s6, $0x1;
	s6 =	sadd.s32 s21, s4  }
0x9e: {  	[timem:s8], [sflag:s22] =	dma.local [hbm:s6], s20  }
0x9f: {  	_ =	swait.ge [sflag:s22], s20  }
0xa0: {  	s5 =	ssub.s32 $0x0, s20;
	[sflag:s22] =	ssyncset.done $0x0  }
0xa1: {  	[sflag:s22] =	ssyncadd.s32 s5;
	_ =	sdelay $0x1  }
0xa2: {  	s23 =	simm.s32 $0x1B8B  }
0xa3: {  	_ =	swait.ge [sflag:s23], $0x1  }
0xa4: {  	[sflag:s23] =	ssyncset.done $0x0  }
0xa5: {  	s25 =	simm.s32 $0x1B8E;
	s24 =	sld [smem:$0x3FFE];
	[sflag:s23] =	ssyncadd.s32 $0xFFFFFFFF  }
0xa6: {  	s26 =	simm.s32 $execute0_lowered;
	[smem:$0x3FD2] =	sst s25  }
0xa7: {  	s6 =	sshll.u32 s26, $0x1;
	_ =	strace $0x80000046;
	[dreg:$0x1] =	wrdreg $0xFFFFFFFF  }
0xa8: {  	s28 =	simm.s32 $_size_execute0_lowered;
	s4 =	sadd.s32 s4, s6;
	[dreg:$0x0] =	wrdreg $0x0  }
0xa9: {  	s6 =	sshll.u32 s28, $0x1;
	[dreg:$0x2] =	wrdreg s4  }
0xaa: {  	[dreg:$0x3] =	wrdreg s6  }
0xab: {  	[dreg:$0x4] =	wrdreg $0xC0  }
0xac: {  	_ =	task [dreg:s8], $0x5FFFF  }
0xad: {  	[dreg:$0x1] =	wrdreg $0xFFFFFFFF  }
0xae: {  	[dreg:$0x0] =	wrdreg $0x60  }
0xaf: {  	[dreg:$0x2] =	wrdreg s24  }
0xb0: {  	[dreg:$0x3] =	wrdreg s2  }
0xb1: {  	[dreg:$0x4] =	wrdreg s18  }
0xb2: {  	[dreg:$0x5] =	wrdreg $0x9  }
0xb3: {  	_ =	task.clear_ibuf [dreg:s8], $0x6FFFF;
	_ =	strace $0x90000046  }
0xb4: {  	s29 =	simm.s32 $0x9;
	_ =	strace $0x80000048  }
0xb5: {  	_ =	swait.ge [sflag:s29], $0x1  }
0xb6: {  	[sflag:s29] =	ssyncadd.s32 $0xFFFFFFFF  }
0xb7: {  	_ =	strace $0x90000048  }
0xb8: {  	_ =	sfence  }
0xb9: {  	s30 =	sld [smem:$0x0];
	_ =	sdelay $0x2  }
0xba: {  	s31 =	sshll.u32 s1, $0xD;
	s1 =	sshrl.u32 s1, $0x2  }
0xbb: {  	s3 =	sand.u32 $0x4000, s31;
	s1 =	sadd.s32 s1, s30  }
0xbc: {  	s0 =	sor.u32 s3, s0;
	s1 =	sshll.u32 s1, $0x11  }
0xbd: {  	s0 =	sor.u32 s1, s0  }
0xbe: {  	s0 =	sadd.s32 $0x8F2B, s0  }
0xbf: {  	[sflag:s0] =	ssyncadd.remote.s32 $0x1  }
0xc0: {  	_ =	sfence.sel $0xFFFF  }
0xc1: {  	[dreg:$0x0] =	wrdreg $0xFFFFFFFF;
	(pc) =	sbr.abs _section_cstart, $3  }
0xc2: {  	[dreg:$0x1] =	wrdreg $0xFFFFFFFF  }
0xc3: {  	_ =	task.clear_ibuf [dreg:s8], $0x2FFFF;
	_ =	strace $0x9FFFFFFF  }
0xc4: {  	(tm) =	ssettm $0x7FFFFFFF  }
0xc5: {  	_ =	shalt  }
tec
execute0_lowered:
.L_overlay_start_1:
0x0: {  	(tag) =	ssettag $0x1  }
0x1: {  	s6 =	rddreg [dreg:$0x0]  }
0x2: {  	s1 =	rddreg [dreg:$0x1]  }
0x3: {  	s2 =	rddreg [dreg:$0x2];
	s3 =	srdreg.scid  }
0x4: {  	s0 =	rddreg [dreg:$0x3];
	s4 =	simm.s32 $0x0;
	s11 =	simm.s32 $0xC8  }
0x5: {  	s12 =	simm.s32 $0x100;
	s13 =	simm.s32 $0x1;
	s14 =	simm.s32 $0x0  }
0x6: {  	s7 =	sand.u32 $0x1, s3;
	[smem:$0x7FF] =	sst s4;
	s3 =	stileid.u32  }
0x7: {  	s5 =	sadd.s32 $0x600, s6;
	s6 =	sadd.s32 $0x19600, s6;
	s8 =	ssub.s32 $0x2, s7  }
0x8: {  	_ =	strace $0x80000047;
	s10 =	sshll.u32 s3, $0x1;
	s9 =	sshrl.u32 s8, $0x1  }
0x9: {  	s7 =	sor.u32 s7, s10;
	s10 =	simm.s32 $0x2;
	s8 =	ssub.s32 s8, s9  }
0xa: {  	s7 =	smul.u32 $0x6400, s7;
	s9 =	simm.s32 $0x6500;
	s8 =	smax.u32 s8, $0x1  }
.LBB2_1:
0xb: {  	[tilespmem:s9], [sflag:$0x2] =	stream.linear.gather [hbm4b:s6+s4], $0x6400, $0x38;
	[tilespmem:$0xC900] =	vst v63  }
0xc: {  	_ =	swait.ge [sflag:s10], $0x6400  }
0xd: {  	[sflag:s10] =	ssyncset.done $0x0  }
0xe: {  	s15 =	simm.s32 $0x0;
	[sflag:s10] =	ssyncadd.s32 $0xFFFF9C00  }
.LBB2_2:
0xf: {  	s16 =	smul.u32 $0xC8, s15;
	_ =	sdelay $0x1  }
0x10: {  	s16 =	sadd.s32 s7, s16  }
0x11: {  	s17 =	sshrl.u32 s16, $0x3  }
0x12: {  	s17 =	sadd.s32 s5, s17  }
0x13: {  	[tilespmem:s4], [sflag:$0x2] =	stream.linear.gather [hbm4b:s17+s4], $0xC8, $0x38;
	[tilespmem:$0xC900] =	vst v63  }
0x14: {  	_ =	swait.ge [sflag:s10], $0xC8  }
0x15: {  	[sflag:s10] =	ssyncset.done $0x0  }
0x16: {  	[sflag:s10] =	ssyncadd.s32 $0xFFFFFF38  }
0x17: {  	[tilespmem:s12], [sflag:$0x1] =	stream.indirect.gather [hbm4b:s1+s11], $0x80, s4, s11, $0xb8;
	[tilespmem:$0xC900] =	vst v63  }
0x18: {  	_ =	swait.ge [sflag:s13], $0x6400  }
0x19: {  	[sflag:s13] =	ssyncset.done $0x0  }
0x1a: {  	s17 =	simm.s32 $0x180;
	[sflag:s13] =	ssyncadd.s32 $0xFFFF9C00  }
0x1b: {  	s18 =	simm.s32 $0x6580;
	v0 =	vld [tilespmem:s17+$0xFFFFFF80]  }
0x1c: {  	v1 =	vld [tilespmem:s18+$0xFFFFFF80];
	_ =	sdelay $0x4  }
0x1d: {  	v0 =	vadd.f32 v1, v0;
	_ =	sdelay $0x1  }
0x1e: {  	[tilespmem:s17+$0xFFFFFF80] =	vst v0;
	v0 =	vld [tilespmem:s17+$0xFFFFFF90]  }
0x1f: {  	v1 =	vld [tilespmem:s18+$0xFFFFFF90];
	_ =	sdelay $0x4  }
0x20: {  	v0 =	vadd.f32 v1, v0;
	_ =	sdelay $0x1  }
0x21: {  	[tilespmem:s17+$0xFFFFFF90] =	vst v0;
	v0 =	vld [tilespmem:s17+$0xFFFFFFA0]  }
0x22: {  	v1 =	vld [tilespmem:s18+$0xFFFFFFA0];
	_ =	sdelay $0x4  }
0x23: {  	v0 =	vadd.f32 v1, v0;
	_ =	sdelay $0x1  }
0x24: {  	[tilespmem:s17+$0xFFFFFFA0] =	vst v0;
	v0 =	vld [tilespmem:s17+$0xFFFFFFB0]  }
0x25: {  	v1 =	vld [tilespmem:s18+$0xFFFFFFB0];
	_ =	sdelay $0x4  }
0x26: {  	v0 =	vadd.f32 v1, v0;
	_ =	sdelay $0x1  }
0x27: {  	[tilespmem:s17+$0xFFFFFFB0] =	vst v0;
	v0 =	vld [tilespmem:s17+$0xFFFFFFC0]  }
0x28: {  	v1 =	vld [tilespmem:s18+$0xFFFFFFC0];
	_ =	sdelay $0x4  }
0x29: {  	v0 =	vadd.f32 v1, v0;
	_ =	sdelay $0x1  }
0x2a: {  	[tilespmem:s17+$0xFFFFFFC0] =	vst v0;
	v0 =	vld [tilespmem:s17+$0xFFFFFFD0]  }
0x2b: {  	v1 =	vld [tilespmem:s18+$0xFFFFFFD0];
	_ =	sdelay $0x4  }
0x2c: {  	v0 =	vadd.f32 v1, v0;
	_ =	sdelay $0x1  }
0x2d: {  	[tilespmem:s17+$0xFFFFFFD0] =	vst v0;
	v0 =	vld [tilespmem:s17+$0xFFFFFFE0]  }
0x2e: {  	v1 =	vld [tilespmem:s18+$0xFFFFFFE0];
	_ =	sdelay $0x4  }
0x2f: {  	v0 =	vadd.f32 v1, v0;
	_ =	sdelay $0x1  }
0x30: {  	[tilespmem:s17+$0xFFFFFFE0] =	vst v0;
	v0 =	vld [tilespmem:s17+$0xFFFFFFF0]  }
0x31: {  	v1 =	vld [tilespmem:s18+$0xFFFFFFF0];
	_ =	sdelay $0x4  }
0x32: {  	v0 =	vadd.f32 v1, v0;
	_ =	sdelay $0x1  }
0x33: {  	[tilespmem:s17+$0xFFFFFFF0] =	vst v0;
	v0 =	vld [tilespmem:s17+$0x0]  }
0x34: {  	v1 =	vld [tilespmem:s18+$0x0];
	_ =	sdelay $0x4  }
0x35: {  	v0 =	vadd.f32 v1, v0;
	_ =	sdelay $0x1  }
0x36: {  	[tilespmem:s17+$0x0] =	vst v0;
	v0 =	vld [tilespmem:s17+$0x10]  }
0x37: {  	v1 =	vld [tilespmem:s18+$0x10];
	_ =	sdelay $0x4  }
0x38: {  	v0 =	vadd.f32 v1, v0;
	_ =	sdelay $0x1  }
0x39: {  	[tilespmem:s17+$0x10] =	vst v0;
	v0 =	vld [tilespmem:s17+$0x20]  }
0x3a: {  	v1 =	vld [tilespmem:s18+$0x20];
	_ =	sdelay $0x4  }
0x3b: {  	v0 =	vadd.f32 v1, v0;
	_ =	sdelay $0x1  }
0x3c: {  	[tilespmem:s17+$0x20] =	vst v0;
	v0 =	vld [tilespmem:s17+$0x30]  }
0x3d: {  	v1 =	vld [tilespmem:s18+$0x30];
	_ =	sdelay $0x4  }
0x3e: {  	v0 =	vadd.f32 v1, v0;
	_ =	sdelay $0x1  }
0x3f: {  	[tilespmem:s17+$0x30] =	vst v0;
	v0 =	vld [tilespmem:s17+$0x40]  }
0x40: {  	v1 =	vld [tilespmem:s18+$0x40];
	_ =	sdelay $0x4  }
0x41: {  	v0 =	vadd.f32 v1, v0;
	_ =	sdelay $0x1  }
0x42: {  	[tilespmem:s17+$0x40] =	vst v0;
	v0 =	vld [tilespmem:s17+$0x50]  }
0x43: {  	v1 =	vld [tilespmem:s18+$0x50];
	_ =	sdelay $0x4  }
0x44: {  	v0 =	vadd.f32 v1, v0;
	_ =	sdelay $0x1  }
0x45: {  	[tilespmem:s17+$0x50] =	vst v0;
	v0 =	vld [tilespmem:s17+$0x60]  }
0x46: {  	v1 =	vld [tilespmem:s18+$0x60];
	_ =	sdelay $0x4  }
0x47: {  	v0 =	vadd.f32 v1, v0;
	_ =	sdelay $0x1  }
0x48: {  	[tilespmem:s17+$0x60] =	vst v0;
	v0 =	vld [tilespmem:s17+$0x70]  }
0x49: {  	v1 =	vld [tilespmem:s18+$0x70];
	_ =	sdelay $0x4  }
0x4a: {  	v0 =	vadd.f32 v1, v0  }
0x4b: {  	s19 =	simm.s32 $0x0;
	s20 =	simm.s32 $0x280  }
.LBB2_3:
0x4c: {  	v1 =	vld [tilespmem:s20+$0xFFFFFF80];
	[tilespmem:s17+$0x70] =	vst v0;
	s18 =	sadd.s32 $0x100, s18;
	s17 =	smov.u32 s20  }
0x4d: {  	s19 =	sadd.s32 $0x2, s19;
	v0 =	vld [tilespmem:s18+$0xFFFFFF80]  }
0x4e: {  	p0 =	slt.u32 s19, $0xC6;
	_ =	sdelay $0x3  }
0x4f: {  	v0 =	vadd.f32 v0, v1;
	_ =	sdelay $0x1  }
0x50: {  	[tilespmem:s20+$0xFFFFFF80] =	vst v0;
	v0 =	vld [tilespmem:s20+$0xFFFFFF90]  }
0x51: {  	v1 =	vld [tilespmem:s18+$0xFFFFFF90];
	_ =	sdelay $0x4  }
0x52: {  	v0 =	vadd.f32 v1, v0;
	_ =	sdelay $0x1  }
0x53: {  	[tilespmem:s20+$0xFFFFFF90] =	vst v0;
	v0 =	vld [tilespmem:s20+$0xFFFFFFA0]  }
0x54: {  	v1 =	vld [tilespmem:s18+$0xFFFFFFA0];
	_ =	sdelay $0x4  }
0x55: {  	v0 =	vadd.f32 v1, v0;
	_ =	sdelay $0x1  }
0x56: {  	[tilespmem:s20+$0xFFFFFFA0] =	vst v0;
	v0 =	vld [tilespmem:s20+$0xFFFFFFB0]  }
0x57: {  	v1 =	vld [tilespmem:s18+$0xFFFFFFB0];
	_ =	sdelay $0x4  }
0x58: {  	v0 =	vadd.f32 v1, v0;
	_ =	sdelay $0x1  }
0x59: {  	[tilespmem:s20+$0xFFFFFFB0] =	vst v0;
	v0 =	vld [tilespmem:s20+$0xFFFFFFC0]  }
0x5a: {  	v1 =	vld [tilespmem:s18+$0xFFFFFFC0];
	_ =	sdelay $0x4  }
0x5b: {  	v0 =	vadd.f32 v1, v0;
	_ =	sdelay $0x1  }
0x5c: {  	[tilespmem:s20+$0xFFFFFFC0] =	vst v0;
	v0 =	vld [tilespmem:s20+$0xFFFFFFD0]  }
0x5d: {  	v1 =	vld [tilespmem:s18+$0xFFFFFFD0];
	_ =	sdelay $0x4  }
0x5e: {  	v0 =	vadd.f32 v1, v0;
	_ =	sdelay $0x1  }
0x5f: {  	[tilespmem:s20+$0xFFFFFFD0] =	vst v0;
	v0 =	vld [tilespmem:s20+$0xFFFFFFE0]  }
0x60: {  	v1 =	vld [tilespmem:s18+$0xFFFFFFE0];
	_ =	sdelay $0x4  }
0x61: {  	v0 =	vadd.f32 v1, v0;
	_ =	sdelay $0x1  }
0x62: {  	[tilespmem:s20+$0xFFFFFFE0] =	vst v0;
	v0 =	vld [tilespmem:s20+$0xFFFFFFF0]  }
0x63: {  	v1 =	vld [tilespmem:s18+$0xFFFFFFF0];
	_ =	sdelay $0x4  }
0x64: {  	v0 =	vadd.f32 v1, v0;
	_ =	sdelay $0x1  }
0x65: {  	[tilespmem:s20+$0xFFFFFFF0] =	vst v0;
	v0 =	vld [tilespmem:s20+$0x0]  }
0x66: {  	v1 =	vld [tilespmem:s18+$0x0];
	_ =	sdelay $0x4  }
0x67: {  	v0 =	vadd.f32 v1, v0;
	_ =	sdelay $0x1  }
0x68: {  	[tilespmem:s20+$0x0] =	vst v0;
	v0 =	vld [tilespmem:s20+$0x10]  }
0x69: {  	v1 =	vld [tilespmem:s18+$0x10];
	_ =	sdelay $0x4  }
0x6a: {  	v0 =	vadd.f32 v1, v0;
	_ =	sdelay $0x1  }
0x6b: {  	[tilespmem:s20+$0x10] =	vst v0;
	v0 =	vld [tilespmem:s20+$0x20]  }
0x6c: {  	v1 =	vld [tilespmem:s18+$0x20];
	_ =	sdelay $0x4  }
0x6d: {  	v0 =	vadd.f32 v1, v0;
	_ =	sdelay $0x1  }
0x6e: {  	[tilespmem:s20+$0x20] =	vst v0;
	v0 =	vld [tilespmem:s20+$0x30]  }
0x6f: {  	v1 =	vld [tilespmem:s18+$0x30];
	_ =	sdelay $0x4  }
0x70: {  	v0 =	vadd.f32 v1, v0;
	_ =	sdelay $0x1  }
0x71: {  	[tilespmem:s20+$0x30] =	vst v0;
	v0 =	vld [tilespmem:s20+$0x40]  }
0x72: {  	v1 =	vld [tilespmem:s18+$0x40];
	_ =	sdelay $0x4  }
0x73: {  	v0 =	vadd.f32 v1, v0;
	_ =	sdelay $0x1  }
0x74: {  	[tilespmem:s20+$0x40] =	vst v0;
	v0 =	vld [tilespmem:s20+$0x50]  }
0x75: {  	v1 =	vld [tilespmem:s18+$0x50];
	_ =	sdelay $0x4  }
0x76: {  	v0 =	vadd.f32 v1, v0;
	_ =	sdelay $0x1  }
0x77: {  	[tilespmem:s20+$0x50] =	vst v0;
	v0 =	vld [tilespmem:s20+$0x60]  }
0x78: {  	v1 =	vld [tilespmem:s18+$0x60];
	_ =	sdelay $0x4  }
0x79: {  	v0 =	vadd.f32 v1, v0;
	_ =	sdelay $0x1  }
0x7a: {  	[tilespmem:s20+$0x60] =	vst v0;
	v0 =	vld [tilespmem:s20+$0x70]  }
0x7b: {  	v1 =	vld [tilespmem:s18+$0x70];
	_ =	sdelay $0x1  }
.Ltmp0:
0x7c: {  	(pc) =	sbr.rel @p0 .LBB2_3-.Ltmp0, $3  }
0x7d: {  	_ =	sdelay $0x1  }
0x7e: {  	v0 =	vadd.f32 v1, v0  }
0x7f: {  	s20 =	sadd.s32 $0x100, s20  }
0x80: {  	s15 =	sadd.s32 $0x1, s15  }
0x81: {  	s16 =	sshll.u32 s16, $0x4;
	p0 =	sne.s32 s15, $0x80  }
.Ltmp1:
0x82: {  	[tilespmem:s17+$0x70] =	vst v0;
	s16 =	sadd.s32 s2, s16;
	(pc) =	sbr.rel @p0 .LBB2_2-.Ltmp1, $4  }
0x83: {  	[hbm4b:s16+s4] =	stream.linear.scatter [tilespmem:s12], [sflag:$0x2], $0x6400, $0x38;
	[tilespmem:$0xC900] =	vst v63  }
0x84: {  	_ =	swait.ge [sflag:s10], $0x6400  }
0x85: {  	[sflag:s10] =	ssyncset.done $0x0  }
0x86: {  	[sflag:s10] =	ssyncadd.s32 $0xFFFF9C00  }
0x87: {  	s14 =	sadd.s32 $0x1, s14  }
0x88: {  	p0 =	sne.s32 s14, s8  }
.Ltmp2:
0x89: {  	_ = 	snop;
	(pc) =	sbr.rel @p0 .LBB2_1-.Ltmp2, $1  }
0x8a: {  	_ =	sdelay $0x3  }
0x8b: {  	_ =	sfence.sel $0x180000  }
0x8c: {  	[bflag:$0x0] =	sbarrier.arrive $0xFFFF  }
0x8d: {  	p0 =	sne.s32 s3, $0x0;
	_ =	strace $0x90000047  }
0x8e: {  	s0 =	sadd.s32 @!p0 $0x100000, s0;
	[bflag:$0x2] =	sbarrier.arrive $0xFFFF  }
0x8f: {  	[sflag:s0] =	ssyncadd.tile.s32 @!p0 $0x1;
	_ =	shalt  }
.Lfunc_end2:
_tile_overlayer_lowered:
.L_overlay_start_2:
0x90: {  	(tag) =	ssettag $0x2  }
0x91: {  	s0 =	rddreg [dreg:$0x0];
	s2 =	stileid.u32  }
0x92: {  	s1 =	rddreg [dreg:$0x1];
	p0 =	sne.s32 s2, $0x0  }
0x93: {  	s3 =	rddreg [dreg:$0x2];
	[bflag:$0x3] =	sbarrier.arrive $0xFFFF;
	s2 =	simm.s32 @!p0 $0x1C02  }
0x94: {  	[timem:s3], [sflag:s2] =	dma.local @!p0 [hbm:s0], s1  }
0x95: {  	s0 =	simm.s32 @!p0 $0x2  }
0x96: {  	_ =	swait.ge @!p0 [sflag:s0], s1  }
0x97: {  	s1 =	ssub.s32 @!p0 $0x0, s1;
	[sflag:s0] =	ssyncset.done @!p0 $0x0  }
0x98: {  	[sflag:s0] =	ssyncadd.s32 @!p0 s1  }
0x99: {  	[bflag:$0x3] =	sbarrier.arrive $0xFFFF  }
0x9a: {  	_ =	shalt  }

</sc_bundles>
